<compile_context>
chip_gen: v7x
topology: tpu7x:2x2x1
jax: 0.10.2.dev20260603
libtpu: 0.0.44.dev20260713+nightly
codegen_flags: <defaults>
</compile_context>

<pallas_src>
import functools

import jax
import jax.numpy as jnp
from jax import lax
from jax.experimental import pallas as pl
from jax.experimental.pallas import tpu as pltpu
from jax.experimental.pallas import tpu_sc as plsc

_DIM = 64
_NEMB = 1024
_B0 = 16
_S0 = 576
_ROWS = _B0 * _S0
_BB = 8
_NSTEP = _B0 // _BB

_NW = 32
_BPW = _ROWS // _NW
_CH = 96


def _tc_body(x_ref, e_ref, enp_ref, ind_ref, loss_ref, en2_s, colsq_s):
    i = pl.program_id(0)

    @pl.when(i == 0)
    def _():
        e = e_ref[...]
        norm = jnp.sqrt(jnp.sum(e * e, axis=0, keepdims=True))
        en_t = e / norm
        en2_s[...] = en_t + en_t
        colsq_t = jnp.sum(en_t * en_t, axis=0, keepdims=True)
        colsq_s[...] = colsq_t.T
        enp_ref[...] = en_t.T
        ssum = jnp.sum(en_t, axis=1, keepdims=True)
        entropy = (2.0 * _NEMB * jnp.sum(colsq_t)
                   - 2.0 * jnp.sum(ssum * ssum))
        loss_ref[0, 0] = -entropy * (1.0 / (_NEMB * _NEMB))

    inds = []
    sdist = jnp.float32(0.0)
    for b in range(_BB):
        x = x_ref[b]
        xsq = jnp.sum(x * x, axis=0, keepdims=True)
        dot2 = lax.dot_general(en2_s[...], x, (((0,), (0,)), ((), ())),
                               preferred_element_type=jnp.float32)
        nd = (dot2 - xsq) - colsq_s[...]
        m = jnp.max(nd, axis=0, keepdims=True)
        iota = lax.broadcasted_iota(jnp.int32, nd.shape, 0)
        inds.append(jnp.min(jnp.where(nd == m, iota, jnp.int32(2 ** 30)),
                            axis=0, keepdims=True))
        sdist = sdist - jnp.sum(m)
    ind_blk = jnp.concatenate(inds, axis=1).reshape(_BB * _S0)
    ind_ref[pl.ds(i * (_BB * _S0), _BB * _S0)] = ind_blk
    loss_ref[0, 0] += sdist * (1.0 / (_ROWS * _DIM))


_tc_call = pl.pallas_call(
    _tc_body,
    grid=(_NSTEP,),
    in_specs=[
        pl.BlockSpec((_BB, _DIM, _S0), lambda i: (i, 0, 0)),
        pl.BlockSpec((_DIM, _NEMB), lambda i: (0, 0)),
    ],
    out_specs=[
        pl.BlockSpec((_NEMB, _DIM), lambda i: (0, 0)),
        pl.BlockSpec((_ROWS,), lambda i: (0,)),
        pl.BlockSpec((1, 1), lambda i: (0, 0),
                     memory_space=pltpu.SMEM),
    ],
    out_shape=[
        jax.ShapeDtypeStruct((_NEMB, _DIM), jnp.float32),
        jax.ShapeDtypeStruct((_ROWS,), jnp.int32),
        jax.ShapeDtypeStruct((1, 1), jnp.float32),
    ],
    scratch_shapes=[
        pltpu.VMEM((_DIM, _NEMB), jnp.float32),
        pltpu.VMEM((_NEMB, 1), jnp.float32),
    ],
    compiler_params=pltpu.CompilerParams(
        dimension_semantics=("arbitrary",)),
)


def _sc_gather(table, idx):
    mesh = plsc.VectorSubcoreMesh(core_axis_name="c", subcore_axis_name="s")

    @functools.partial(
        pl.kernel, mesh=mesh,
        out_type=jax.ShapeDtypeStruct((_ROWS, _DIM), jnp.float32),
        scratch_types=[
            pltpu.VMEM((_BPW,), jnp.int32),
            pltpu.VMEM((_BPW, _DIM), jnp.float32),
            pltpu.SemaphoreType.DMA,
        ],
        compiler_params=pltpu.CompilerParams(use_tc_tiling_on_sc=False),
    )
    def k(table_hbm, idx_hbm, out_hbm, idx_v, rows_v, sem):
        wid = lax.axis_index("s") * 2 + lax.axis_index("c")
        base = wid * _BPW
        pltpu.sync_copy(idx_hbm.at[pl.ds(base, _BPW)], idx_v)
        copies = []
        for c in range(_BPW // _CH):
            copies.append(
                pltpu.async_copy(table_hbm.at[idx_v.at[pl.ds(c * _CH, _CH)]],
                                 rows_v.at[pl.ds(c * _CH, _CH)], sem))
        for cp in copies:
            cp.wait()
        pltpu.sync_copy(rows_v, out_hbm.at[pl.ds(base, _BPW)])

    return k(table, idx)


def kernel(input, embedding):
    x_t = jnp.swapaxes(input, 1, 2)
    e_t = embedding.T
    table, ind, loss = _tc_call(x_t, e_t)
    q = _sc_gather(table, ind)
    return (q.reshape(_B0, _S0, _DIM), loss[0, 0], ind)

# --- scband reference (transcript-rebuilt; emitter-appended) ---
"""Pipeline reference for scband-quantize-37512244363876 (READ-ONLY COPY).

The authoritative reference and input builder live on the scoring server;
editing this copy changes nothing except your own understanding.
"""

import jax, jax.numpy as jnp
import numpy as np

DIM = 64
N_EMBED = 1024


def setup_inputs(seed: int = 0):
    key = jax.random.key(seed)
    k1, k2 = jax.random.split(key)
    inp = jax.random.normal(k1, (16, 576, DIM), dtype=jnp.float32)
    embedding = jax.random.normal(k2, (N_EMBED, DIM), dtype=jnp.float32)
    return {"input": inp, "embedding": embedding}


def reference(input, embedding):
    dim = embedding.shape[1]
    n_embed = embedding.shape[0]
    # entropy term on normalized codebook (differentiable w.r.t. embedding)
    embed = embedding / jnp.linalg.norm(embedding, axis=1, keepdims=True)
    sq = jnp.sum(embed ** 2, axis=1, keepdims=True)
    dist_between = sq - 2.0 * (embed @ embed.T) + sq.T
    entropy = jnp.sum(dist_between)
    # nearest-neighbor assignment on detached, column-normalized codebook
    embed_d = jax.lax.stop_gradient(embedding).T
    embed_d = embed_d / jnp.linalg.norm(embed_d, axis=0)
    flatten = jax.lax.stop_gradient(input.reshape(-1, dim))
    dist = (jnp.sum(flatten ** 2, axis=1, keepdims=True)
            - 2.0 * (flatten @ embed_d)
            + jnp.sum(embed_d ** 2, axis=0, keepdims=True))
    embed_ind = jnp.argmax(-dist, axis=1)
    # quantize with the live (differentiable) embedding, row-normalized
    q = jnp.take(embedding, embed_ind, axis=0)
    quantize = q / jnp.linalg.norm(q, axis=1, keepdims=True)
    quantize = quantize.reshape(input.shape)
    diff = jnp.mean((quantize - input) ** 2)
    quantize_1 = input + jax.lax.stop_gradient(quantize - input)
    loss = diff - (1.0 / n_embed) ** 2 * entropy
    return ((quantize + quantize_1) / 2.0, loss, jax.lax.stop_gradient(embed_ind))

if __name__ == "__main__":
    import jax
    _d = setup_inputs()
    print(jax.jit(kernel)(*tuple(_d.values())))

</pallas_src>

<mosaic_0001>
#map = affine_map<(d0, d1) -> (0, 0)>
#map1 = affine_map<(d0, d1) -> (0)>
module attributes {stable_mosaic.version = 14 : i64} {
  func.func @k(%arg0: i32, %arg1: i32, %arg2: memref<1024x64xf32, #tpu.memory_space<hbm>>, %arg3: memref<9216xi32, #tpu.memory_space<hbm>>, %arg4: memref<9216x64xf32, #tpu.memory_space<hbm>>, %arg5: memref<288xi32, #tpu.memory_space<vmem>>, %arg6: memref<288x64xf32, #tpu.memory_space<vmem>>, %arg7: memref<!tpu.dma_semaphore, #tpu.memory_space<semaphore_mem>>) attributes {dimension_semantics = [#tpu.dimension_semantics<core_parallel>, #tpu.dimension_semantics<subcore_parallel>], iteration_bounds = array<i64: 2, 16>, scalar_prefetch = 0 : i64, scratch_operands = 3 : i64, tpu.core_type = #tpu.core_type<sc_vector_subcore>, window_params = [{transform_indices = #map}, {transform_indices = #map1}, {transform_indices = #map}]} {
    %mul3A = arith.constant 2 : i32
    %mul3A_0 = arith.muli %arg1, %mul3A : i32
    %add3A = arith.addi %mul3A_0, %arg0 : i32
    %mul3A_1 = arith.constant 288 : i32
    %mul3A_2 = arith.muli %add3A, %mul3A_1 : i32
    "tpu.region"() ({
      %run_scoped3A = tpu.sem_alloc : memref<!tpu.dma_semaphore, #tpu.memory_space<semaphore_mem>>
      %dma_start3A_49 = tpu.memref_slice %arg3[%mul3A_2] : memref<9216xi32, #tpu.memory_space<hbm>> -> memref<288xi32, #tpu.memory_space<hbm>>
      %dma_start3A_50 = tpu.memref_slice %arg3[%mul3A_2] : memref<9216xi32, #tpu.memory_space<hbm>> -> memref<288xi32, #tpu.memory_space<hbm>>
      tpu.enqueue_dma source(%dma_start3A_50 : memref<288xi32, #tpu.memory_space<hbm>>) target(%arg5 : memref<288xi32, #tpu.memory_space<vmem>>) target_semaphore(%run_scoped3A : memref<!tpu.dma_semaphore, #tpu.memory_space<semaphore_mem>>)
      %dma_wait3A_51 = tpu.memref_slice %arg3[%mul3A_2] : memref<9216xi32, #tpu.memory_space<hbm>> -> memref<288xi32, #tpu.memory_space<hbm>>
      %dma_wait3A_52 = tpu.memref_slice %arg3[%mul3A_2] : memref<9216xi32, #tpu.memory_space<hbm>> -> memref<288xi32, #tpu.memory_space<hbm>>
      tpu.wait_dma2 semaphore(%run_scoped3A : memref<!tpu.dma_semaphore, #tpu.memory_space<semaphore_mem>>) src(%dma_wait3A_52 : memref<288xi32, #tpu.memory_space<hbm>>) dst(%arg5 : memref<288xi32, #tpu.memory_space<vmem>>)
      tpu.yield
    }) : () -> ()
    %dma_start3A = arith.constant 0 : i32
    %dma_start3A_3 = arith.constant 0 : i32
    %dma_start3A_4 = tpu.memref_slice %arg6[%dma_start3A, %dma_start3A_3] : memref<288x64xf32, #tpu.memory_space<vmem>> -> memref<96x64xf32, #tpu.memory_space<vmem>>
    %dma_start3A_5 = arith.constant 0 : i32
    %dma_start3A_6 = tpu.memref_slice %arg5[%dma_start3A_5] : memref<288xi32, #tpu.memory_space<vmem>> -> memref<96xi32, #tpu.memory_space<vmem>>
    %dma_start3A_7 = arith.constant 0 : i32
    %dma_start3A_8 = arith.constant 0 : i32
    %dma_start3A_9 = tpu.memref_slice %arg2[%dma_start3A_7, %dma_start3A_8] : memref<1024x64xf32, #tpu.memory_space<hbm>> -> memref<1024x64xf32, #tpu.memory_space<hbm>>
    tpu.enqueue_indirect_dma source(%dma_start3A_9 : memref<1024x64xf32, #tpu.memory_space<hbm>>) target(%dma_start3A_4 : memref<96x64xf32, #tpu.memory_space<vmem>>) offsets(%dma_start3A_6 : memref<96xi32, #tpu.memory_space<vmem>>) semaphore(%arg7 : memref<!tpu.dma_semaphore, #tpu.memory_space<semaphore_mem>>)
    %dma_start3A_10 = arith.constant 96 : i32
    %dma_start3A_11 = arith.constant 0 : i32
    %dma_start3A_12 = tpu.memref_slice %arg6[%dma_start3A_10, %dma_start3A_11] : memref<288x64xf32, #tpu.memory_space<vmem>> -> memref<96x64xf32, #tpu.memory_space<vmem>>
    %dma_start3A_13 = arith.constant 96 : i32
    %dma_start3A_14 = tpu.memref_slice %arg5[%dma_start3A_13] : memref<288xi32, #tpu.memory_space<vmem>> -> memref<96xi32, #tpu.memory_space<vmem>>
    %dma_start3A_15 = arith.constant 0 : i32
    %dma_start3A_16 = arith.constant 0 : i32
    %dma_start3A_17 = tpu.memref_slice %arg2[%dma_start3A_15, %dma_start3A_16] : memref<1024x64xf32, #tpu.memory_space<hbm>> -> memref<1024x64xf32, #tpu.memory_space<hbm>>
    tpu.enqueue_indirect_dma source(%dma_start3A_17 : memref<1024x64xf32, #tpu.memory_space<hbm>>) target(%dma_start3A_12 : memref<96x64xf32, #tpu.memory_space<vmem>>) offsets(%dma_start3A_14 : memref<96xi32, #tpu.memory_space<vmem>>) semaphore(%arg7 : memref<!tpu.dma_semaphore, #tpu.memory_space<semaphore_mem>>)
    %dma_start3A_18 = arith.constant 192 : i32
    %dma_start3A_19 = arith.constant 0 : i32
    %dma_start3A_20 = tpu.memref_slice %arg6[%dma_start3A_18, %dma_start3A_19] : memref<288x64xf32, #tpu.memory_space<vmem>> -> memref<96x64xf32, #tpu.memory_space<vmem>>
    %dma_start3A_21 = arith.constant 192 : i32
    %dma_start3A_22 = tpu.memref_slice %arg5[%dma_start3A_21] : memref<288xi32, #tpu.memory_space<vmem>> -> memref<96xi32, #tpu.memory_space<vmem>>
    %dma_start3A_23 = arith.constant 0 : i32
    %dma_start3A_24 = arith.constant 0 : i32
    %dma_start3A_25 = tpu.memref_slice %arg2[%dma_start3A_23, %dma_start3A_24] : memref<1024x64xf32, #tpu.memory_space<hbm>> -> memref<1024x64xf32, #tpu.memory_space<hbm>>
    tpu.enqueue_indirect_dma source(%dma_start3A_25 : memref<1024x64xf32, #tpu.memory_space<hbm>>) target(%dma_start3A_20 : memref<96x64xf32, #tpu.memory_space<vmem>>) offsets(%dma_start3A_22 : memref<96xi32, #tpu.memory_space<vmem>>) semaphore(%arg7 : memref<!tpu.dma_semaphore, #tpu.memory_space<semaphore_mem>>)
    %dma_wait3A = arith.constant 0 : i32
    %dma_wait3A_26 = arith.constant 0 : i32
    %dma_wait3A_27 = tpu.memref_slice %arg6[%dma_wait3A, %dma_wait3A_26] : memref<288x64xf32, #tpu.memory_space<vmem>> -> memref<96x64xf32, #tpu.memory_space<vmem>>
    %dma_wait3A_28 = arith.constant 0 : i32
    %dma_wait3A_29 = tpu.memref_slice %arg5[%dma_wait3A_28] : memref<288xi32, #tpu.memory_space<vmem>> -> memref<96xi32, #tpu.memory_space<vmem>>
    %dma_wait3A_30 = arith.constant 0 : i32
    %dma_wait3A_31 = arith.constant 0 : i32
    %dma_wait3A_32 = tpu.memref_slice %arg2[%dma_wait3A_30, %dma_wait3A_31] : memref<1024x64xf32, #tpu.memory_space<hbm>> -> memref<1024x64xf32, #tpu.memory_space<hbm>>
    tpu.wait_indirect_dma semaphore(%arg7 : memref<!tpu.dma_semaphore, #tpu.memory_space<semaphore_mem>>) src(%dma_wait3A_32 : memref<1024x64xf32, #tpu.memory_space<hbm>>) dst(%dma_wait3A_27 : memref<96x64xf32, #tpu.memory_space<vmem>>)
    %dma_wait3A_33 = arith.constant 96 : i32
    %dma_wait3A_34 = arith.constant 0 : i32
    %dma_wait3A_35 = tpu.memref_slice %arg6[%dma_wait3A_33, %dma_wait3A_34] : memref<288x64xf32, #tpu.memory_space<vmem>> -> memref<96x64xf32, #tpu.memory_space<vmem>>
    %dma_wait3A_36 = arith.constant 96 : i32
    %dma_wait3A_37 = tpu.memref_slice %arg5[%dma_wait3A_36] : memref<288xi32, #tpu.memory_space<vmem>> -> memref<96xi32, #tpu.memory_space<vmem>>
    %dma_wait3A_38 = arith.constant 0 : i32
    %dma_wait3A_39 = arith.constant 0 : i32
    %dma_wait3A_40 = tpu.memref_slice %arg2[%dma_wait3A_38, %dma_wait3A_39] : memref<1024x64xf32, #tpu.memory_space<hbm>> -> memref<1024x64xf32, #tpu.memory_space<hbm>>
    tpu.wait_indirect_dma semaphore(%arg7 : memref<!tpu.dma_semaphore, #tpu.memory_space<semaphore_mem>>) src(%dma_wait3A_40 : memref<1024x64xf32, #tpu.memory_space<hbm>>) dst(%dma_wait3A_35 : memref<96x64xf32, #tpu.memory_space<vmem>>)
    %dma_wait3A_41 = arith.constant 192 : i32
    %dma_wait3A_42 = arith.constant 0 : i32
    %dma_wait3A_43 = tpu.memref_slice %arg6[%dma_wait3A_41, %dma_wait3A_42] : memref<288x64xf32, #tpu.memory_space<vmem>> -> memref<96x64xf32, #tpu.memory_space<vmem>>
    %dma_wait3A_44 = arith.constant 192 : i32
    %dma_wait3A_45 = tpu.memref_slice %arg5[%dma_wait3A_44] : memref<288xi32, #tpu.memory_space<vmem>> -> memref<96xi32, #tpu.memory_space<vmem>>
    %dma_wait3A_46 = arith.constant 0 : i32
    %dma_wait3A_47 = arith.constant 0 : i32
    %dma_wait3A_48 = tpu.memref_slice %arg2[%dma_wait3A_46, %dma_wait3A_47] : memref<1024x64xf32, #tpu.memory_space<hbm>> -> memref<1024x64xf32, #tpu.memory_space<hbm>>
    tpu.wait_indirect_dma semaphore(%arg7 : memref<!tpu.dma_semaphore, #tpu.memory_space<semaphore_mem>>) src(%dma_wait3A_48 : memref<1024x64xf32, #tpu.memory_space<hbm>>) dst(%dma_wait3A_43 : memref<96x64xf32, #tpu.memory_space<vmem>>)
    "tpu.region"() ({
      %run_scoped3A = tpu.sem_alloc : memref<!tpu.dma_semaphore, #tpu.memory_space<semaphore_mem>>
      %dma_start3A_49 = arith.constant 0 : i32
      %dma_start3A_50 = tpu.memref_slice %arg4[%mul3A_2, %dma_start3A_49] : memref<9216x64xf32, #tpu.memory_space<hbm>> -> memref<288x64xf32, #tpu.memory_space<hbm>>
      %dma_start3A_51 = arith.constant 0 : i32
      %dma_start3A_52 = tpu.memref_slice %arg4[%mul3A_2, %dma_start3A_51] : memref<9216x64xf32, #tpu.memory_space<hbm>> -> memref<288x64xf32, #tpu.memory_space<hbm>>
      tpu.enqueue_dma source(%arg6 : memref<288x64xf32, #tpu.memory_space<vmem>>) target(%dma_start3A_52 : memref<288x64xf32, #tpu.memory_space<hbm>>) target_semaphore(%run_scoped3A : memref<!tpu.dma_semaphore, #tpu.memory_space<semaphore_mem>>)
      %dma_wait3A_53 = arith.constant 0 : i32
      %dma_wait3A_54 = tpu.memref_slice %arg4[%mul3A_2, %dma_wait3A_53] : memref<9216x64xf32, #tpu.memory_space<hbm>> -> memref<288x64xf32, #tpu.memory_space<hbm>>
      %dma_wait3A_55 = arith.constant 0 : i32
      %dma_wait3A_56 = tpu.memref_slice %arg4[%mul3A_2, %dma_wait3A_55] : memref<9216x64xf32, #tpu.memory_space<hbm>> -> memref<288x64xf32, #tpu.memory_space<hbm>>
      tpu.wait_dma2 semaphore(%run_scoped3A : memref<!tpu.dma_semaphore, #tpu.memory_space<semaphore_mem>>) src(%arg6 : memref<288x64xf32, #tpu.memory_space<vmem>>) dst(%dma_wait3A_56 : memref<288x64xf32, #tpu.memory_space<hbm>>)
      tpu.yield
    }) : () -> ()
    return
  }
}

module attributes {stable_mosaic.version = 14 : i64} {
  func.func @_tc_body(%arg0: i32, %arg1: memref<8x64x576xf32, #tpu.memory_space<vmem>>, %arg2: memref<64x1024xf32, #tpu.memory_space<vmem>>, %arg3: memref<1024x64xf32, #tpu.memory_space<vmem>>, %arg4: memref<9216xi32, #tpu.memory_space<vmem>>, %arg5: memref<1x1xf32, #tpu.memory_space<smem>>, %arg6: memref<64x1024xf32, #tpu.memory_space<vmem>>, %arg7: memref<1024x1xf32, #tpu.memory_space<vmem>>) attributes {dimension_semantics = [#tpu.dimension_semantics<arbitrary>], iteration_bounds = array<i64: 2>, scalar_prefetch = 0 : i64, scratch_operands = 2 : i64, tpu.core_type = #tpu.core_type<tc>, window_params = [{transform_indices = @transform_0, window_bounds = array<i64: 8, 64, 576>}, {pipeline_mode = #tpu.pipeline_mode<synchronous>, transform_indices = @transform_1, window_bounds = array<i64: 64, 1024>}, {pipeline_mode = #tpu.pipeline_mode<synchronous>, transform_indices = @transform_2, window_bounds = array<i64: 1024, 64>}, {pipeline_mode = #tpu.pipeline_mode<synchronous>, transform_indices = @transform_3, window_bounds = array<i64: 9216>}, {transform_indices = @transform_4, window_bounds = array<i64: 1, 1>}]} {
    %eq3A = arith.constant 0 : i32
    %eq3A_0 = arith.cmpi eq, %arg0, %eq3A : i32
    %convert_element_type3A = arith.extui %eq3A_0 : i1 to i32
    %cond3A = arith.constant 0 : i32
    %cond3A_1 = arith.cmpi ne, %convert_element_type3A, %cond3A : i32
    scf.if %cond3A_1 {
      %get3A_315 = arith.constant 0 : index
      %get3A_316 = arith.constant 0 : index
      %get3A_317 = vector.load %arg2[%get3A_315, %get3A_316] : memref<64x1024xf32, #tpu.memory_space<vmem>>, vector<64x1024xf32>
      %mul3A_318 = arith.mulf %get3A_317, %get3A_317 : vector<64x1024xf32>
      %reduce_sum3A_319 = arith.constant dense<0.000000e+00> : vector<1024xf32>
      %reduce_sum3A_320 = vector.multi_reduction <add>, %mul3A_318, %reduce_sum3A_319 [0] : vector<64x1024xf32> to vector<1024xf32>
      %broadcast_in_dim3A_321 = vector.shape_cast %reduce_sum3A_320 : vector<1024xf32> to vector<1x1024xf32>
      %sqrt3A = math.sqrt %broadcast_in_dim3A_321 : vector<1x1024xf32>
      %div3A = vector.broadcast %sqrt3A : vector<1x1024xf32> to vector<64x1024xf32>
      %div3A_322 = arith.divf %get3A_317, %div3A : vector<64x1024xf32>
      %add3A_323 = arith.addf %div3A_322, %div3A_322 : vector<64x1024xf32>
      %swap3A_324 = arith.constant 0 : index
      %swap3A_325 = arith.constant 0 : index
      %swap3A_326 = vector.load %arg6[%swap3A_324, %swap3A_325] : memref<64x1024xf32, #tpu.memory_space<vmem>>, vector<64x1024xf32>
      tpu.vector_store %arg6[%swap3A_324, %swap3A_325], %add3A_323 {strides = array<i32>} : memref<64x1024xf32, #tpu.memory_space<vmem>>, vector<64x1024xf32>,
      %mul3A_327 = arith.mulf %div3A_322, %div3A_322 : vector<64x1024xf32>
      %reduce_sum3A_328 = arith.constant dense<0.000000e+00> : vector<1024xf32>
      %reduce_sum3A_329 = vector.multi_reduction <add>, %mul3A_327, %reduce_sum3A_328 [0] : vector<64x1024xf32> to vector<1024xf32>
      %broadcast_in_dim3A_330 = vector.shape_cast %reduce_sum3A_329 : vector<1024xf32> to vector<1x1024xf32>
      %transpose3A = tpu.transpose %broadcast_in_dim3A_330, [1, 0] : vector<1x1024xf32> -> vector<1024x1xf32>
      %swap3A_331 = arith.constant 0 : index
      %swap3A_332 = arith.constant 0 : index
      %swap3A_333 = vector.load %arg7[%swap3A_331, %swap3A_332] : memref<1024x1xf32, #tpu.memory_space<vmem>>, vector<1024x1xf32>
      tpu.vector_store %arg7[%swap3A_331, %swap3A_332], %transpose3A {strides = array<i32>} : memref<1024x1xf32, #tpu.memory_space<vmem>>, vector<1024x1xf32>,
      %transpose3A_334 = tpu.transpose %div3A_322, [1, 0] : vector<64x1024xf32> -> vector<1024x64xf32>
      %swap3A_335 = arith.constant 0 : index
      %swap3A_336 = arith.constant 0 : index
      %swap3A_337 = vector.load %arg3[%swap3A_335, %swap3A_336] : memref<1024x64xf32, #tpu.memory_space<vmem>>, vector<1024x64xf32>
      tpu.vector_store %arg3[%swap3A_335, %swap3A_336], %transpose3A_334 {strides = array<i32>} : memref<1024x64xf32, #tpu.memory_space<vmem>>, vector<1024x64xf32>,
      %reduce_sum3A_338 = arith.constant dense<0.000000e+00> : vector<64xf32>
      %reduce_sum3A_339 = vector.multi_reduction <add>, %div3A_322, %reduce_sum3A_338 [1] : vector<64x1024xf32> to vector<64xf32>
      %broadcast_in_dim3A_340 = vector.shape_cast %reduce_sum3A_339 : vector<64xf32> to vector<64x1xf32>
      %reduce_sum3A_341 = vector.shape_cast %broadcast_in_dim3A_330 : vector<1x1024xf32> to vector<1x1x1024xf32>
      %reduce_sum3A_342 = arith.constant dense<0.000000e+00> : vector<1xf32>
      %reduce_sum3A_343 = vector.multi_reduction <add>, %reduce_sum3A_341, %reduce_sum3A_342 [1, 2] : vector<1x1x1024xf32> to vector<1xf32>
      %reduce_sum3A_344 = vector.shape_cast %reduce_sum3A_343 : vector<1xf32> to vector<1x1x1xf32>
      %reduce_sum3A_345 = vector.extract %reduce_sum3A_344[0, 0, 0] : f32 from vector<1x1x1xf32>
      %mul3A_346 = arith.constant 2.048000e+03 : f32
      %mul3A_347 = arith.mulf %mul3A_346, %reduce_sum3A_345 : f32
      %mul3A_348 = arith.mulf %broadcast_in_dim3A_340, %broadcast_in_dim3A_340 : vector<64x1xf32>
      %reduce_sum3A_349 = vector.shape_cast %mul3A_348 : vector<64x1xf32> to vector<1x64x1xf32>
      %reduce_sum3A_350 = arith.constant dense<0.000000e+00> : vector<1xf32>
      %reduce_sum3A_351 = vector.multi_reduction <add>, %reduce_sum3A_349, %reduce_sum3A_350 [1, 2] : vector<1x64x1xf32> to vector<1xf32>
      %reduce_sum3A_352 = vector.shape_cast %reduce_sum3A_351 : vector<1xf32> to vector<1x1x1xf32>
      %reduce_sum3A_353 = vector.extract %reduce_sum3A_352[0, 0, 0] : f32 from vector<1x1x1xf32>
      %mul3A_354 = arith.constant 2.000000e+00 : f32
      %mul3A_355 = arith.mulf %mul3A_354, %reduce_sum3A_353 : f32
      %sub3A_356 = arith.subf %mul3A_347, %mul3A_355 : f32
      %neg3A = arith.constant 0.000000e+00 : f32
      %neg3A_357 = arith.subf %neg3A, %sub3A_356 : f32
      %mul3A_358 = arith.constant 9.53674316E-7 : f32
      %mul3A_359 = arith.mulf %neg3A_357, %mul3A_358 : f32
      %swap3A_360 = arith.constant 0 : index
      %swap3A_361 = arith.constant 0 : index
      %swap3A_362 = memref.load %arg5[%swap3A_360, %swap3A_361] : memref<1x1xf32, #tpu.memory_space<smem>>
      memref.store %mul3A_359, %arg5[%swap3A_360, %swap3A_361] : memref<1x1xf32, #tpu.memory_space<smem>>
    } else {
    }
    %get3A = arith.constant 0 : index
    %get3A_2 = arith.constant 0 : index
    %get3A_3 = arith.constant 0 : index
    %get3A_4 = vector.load %arg1[%get3A, %get3A_2, %get3A_3] : memref<8x64x576xf32, #tpu.memory_space<vmem>>, vector<1x64x576xf32>
    %get3A_5 = vector.shape_cast %get3A_4 : vector<1x64x576xf32> to vector<64x576xf32>
    %mul3A = arith.mulf %get3A_5, %get3A_5 : vector<64x576xf32>
    %reduce_sum3A = arith.constant dense<0.000000e+00> : vector<576xf32>
    %reduce_sum3A_6 = vector.multi_reduction <add>, %mul3A, %reduce_sum3A [0] : vector<64x576xf32> to vector<576xf32>
    %broadcast_in_dim3A = vector.shape_cast %reduce_sum3A_6 : vector<576xf32> to vector<1x576xf32>
    %get3A_7 = arith.constant 0 : index
    %get3A_8 = arith.constant 0 : index
    %get3A_9 = vector.load %arg6[%get3A_7, %get3A_8] : memref<64x1024xf32, #tpu.memory_space<vmem>>, vector<64x1024xf32>
    %dot_general3A = arith.constant dense<0.000000e+00> : vector<1024x576xf32>
    %dot_general3A_10 = tpu.matmul %get3A_9, %get3A_5, %dot_general3A {dimension_numbers = #tpu.dot_dimension_numbers<[0], [0], [1], [1], [0, 1, 1, 1], [], []>, transpose_lhs_hint = false} : vector<64x1024xf32>, vector<64x576xf32>, vector<1024x576xf32> -> vector<1024x576xf32>
    %sub3A = vector.broadcast %broadcast_in_dim3A : vector<1x576xf32> to vector<1024x576xf32>
    %sub3A_11 = arith.subf %dot_general3A_10, %sub3A : vector<1024x576xf32>
    %get3A_12 = arith.constant 0 : index
    %get3A_13 = arith.constant 0 : index
    %get3A_14 = vector.load %arg7[%get3A_12, %get3A_13] : memref<1024x1xf32, #tpu.memory_space<vmem>>, vector<1024x1xf32>
    %sub3A_15 = vector.broadcast %get3A_14 : vector<1024x1xf32> to vector<1024x576xf32>
    %sub3A_16 = arith.subf %sub3A_11, %sub3A_15 : vector<1024x576xf32>
    %reduce_max3A = arith.constant dense<0xFF800000> : vector<576xf32>
    %reduce_max3A_17 = vector.multi_reduction <maximumf>, %sub3A_16, %reduce_max3A [0] : vector<1024x576xf32> to vector<576xf32>
    %broadcast_in_dim3A_18 = vector.shape_cast %reduce_max3A_17 : vector<576xf32> to vector<1x576xf32>
    %iota3A = tpu.iota {dimensions = array<i32: 0>} : vector<1024x576xi32>
    %eq3A_19 = vector.broadcast %broadcast_in_dim3A_18 : vector<1x576xf32> to vector<1024x576xf32>
    %eq3A_20 = arith.cmpf oeq, %sub3A_16, %eq3A_19 : vector<1024x576xf32>
    %jit3A = arith.constant 1073741824 : i32
    %broadcast_in_dim3A_21 = vector.broadcast %jit3A : i32 to vector<1024x576xi32>
    %select_n3A = arith.select %eq3A_20, %iota3A, %broadcast_in_dim3A_21 : vector<1024x576xi1>, vector<1024x576xi32>
    %reduce_min3A = arith.constant dense<2147483647> : vector<576xi32>
    %reduce_min3A_22 = vector.multi_reduction <minsi>, %select_n3A, %reduce_min3A [0] : vector<1024x576xi32> to vector<576xi32>
    %broadcast_in_dim3A_23 = vector.shape_cast %reduce_min3A_22 : vector<576xi32> to vector<1x576xi32>
    %reduce_sum3A_24 = vector.shape_cast %broadcast_in_dim3A_18 : vector<1x576xf32> to vector<1x1x576xf32>
    %reduce_sum3A_25 = arith.constant dense<0.000000e+00> : vector<1xf32>
    %reduce_sum3A_26 = vector.multi_reduction <add>, %reduce_sum3A_24, %reduce_sum3A_25 [1, 2] : vector<1x1x576xf32> to vector<1xf32>
    %reduce_sum3A_27 = vector.shape_cast %reduce_sum3A_26 : vector<1xf32> to vector<1x1x1xf32>
    %reduce_sum3A_28 = vector.extract %reduce_sum3A_27[0, 0, 0] : f32 from vector<1x1x1xf32>
    %sub3A_29 = arith.constant 0.000000e+00 : f32
    %sub3A_30 = arith.subf %sub3A_29, %reduce_sum3A_28 : f32
    %get3A_31 = arith.constant 1 : index
    %get3A_32 = arith.constant 0 : index
    %get3A_33 = arith.constant 0 : index
    %get3A_34 = vector.load %arg1[%get3A_31, %get3A_32, %get3A_33] : memref<8x64x576xf32, #tpu.memory_space<vmem>>, vector<1x64x576xf32>
    %get3A_35 = vector.shape_cast %get3A_34 : vector<1x64x576xf32> to vector<64x576xf32>
    %mul3A_36 = arith.mulf %get3A_35, %get3A_35 : vector<64x576xf32>
    %reduce_sum3A_37 = arith.constant dense<0.000000e+00> : vector<576xf32>
    %reduce_sum3A_38 = vector.multi_reduction <add>, %mul3A_36, %reduce_sum3A_37 [0] : vector<64x576xf32> to vector<576xf32>
    %broadcast_in_dim3A_39 = vector.shape_cast %reduce_sum3A_38 : vector<576xf32> to vector<1x576xf32>
    %get3A_40 = arith.constant 0 : index
    %get3A_41 = arith.constant 0 : index
    %get3A_42 = vector.load %arg6[%get3A_40, %get3A_41] : memref<64x1024xf32, #tpu.memory_space<vmem>>, vector<64x1024xf32>
    %dot_general3A_43 = arith.constant dense<0.000000e+00> : vector<1024x576xf32>
    %dot_general3A_44 = tpu.matmul %get3A_42, %get3A_35, %dot_general3A_43 {dimension_numbers = #tpu.dot_dimension_numbers<[0], [0], [1], [1], [0, 1, 1, 1], [], []>, transpose_lhs_hint = false} : vector<64x1024xf32>, vector<64x576xf32>, vector<1024x576xf32> -> vector<1024x576xf32>
    %sub3A_45 = vector.broadcast %broadcast_in_dim3A_39 : vector<1x576xf32> to vector<1024x576xf32>
    %sub3A_46 = arith.subf %dot_general3A_44, %sub3A_45 : vector<1024x576xf32>
    %get3A_47 = arith.constant 0 : index
    %get3A_48 = arith.constant 0 : index
    %get3A_49 = vector.load %arg7[%get3A_47, %get3A_48] : memref<1024x1xf32, #tpu.memory_space<vmem>>, vector<1024x1xf32>
    %sub3A_50 = vector.broadcast %get3A_49 : vector<1024x1xf32> to vector<1024x576xf32>
    %sub3A_51 = arith.subf %sub3A_46, %sub3A_50 : vector<1024x576xf32>
    %reduce_max3A_52 = arith.constant dense<0xFF800000> : vector<576xf32>
    %reduce_max3A_53 = vector.multi_reduction <maximumf>, %sub3A_51, %reduce_max3A_52 [0] : vector<1024x576xf32> to vector<576xf32>
    %broadcast_in_dim3A_54 = vector.shape_cast %reduce_max3A_53 : vector<576xf32> to vector<1x576xf32>
    %iota3A_55 = tpu.iota {dimensions = array<i32: 0>} : vector<1024x576xi32>
    %eq3A_56 = vector.broadcast %broadcast_in_dim3A_54 : vector<1x576xf32> to vector<1024x576xf32>
    %eq3A_57 = arith.cmpf oeq, %sub3A_51, %eq3A_56 : vector<1024x576xf32>
    %jit3A_58 = arith.constant 1073741824 : i32
    %broadcast_in_dim3A_59 = vector.broadcast %jit3A_58 : i32 to vector<1024x576xi32>
    %select_n3A_60 = arith.select %eq3A_57, %iota3A_55, %broadcast_in_dim3A_59 : vector<1024x576xi1>, vector<1024x576xi32>
    %reduce_min3A_61 = arith.constant dense<2147483647> : vector<576xi32>
    %reduce_min3A_62 = vector.multi_reduction <minsi>, %select_n3A_60, %reduce_min3A_61 [0] : vector<1024x576xi32> to vector<576xi32>
    %broadcast_in_dim3A_63 = vector.shape_cast %reduce_min3A_62 : vector<576xi32> to vector<1x576xi32>
    %reduce_sum3A_64 = vector.shape_cast %broadcast_in_dim3A_54 : vector<1x576xf32> to vector<1x1x576xf32>
    %reduce_sum3A_65 = arith.constant dense<0.000000e+00> : vector<1xf32>
    %reduce_sum3A_66 = vector.multi_reduction <add>, %reduce_sum3A_64, %reduce_sum3A_65 [1, 2] : vector<1x1x576xf32> to vector<1xf32>
    %reduce_sum3A_67 = vector.shape_cast %reduce_sum3A_66 : vector<1xf32> to vector<1x1x1xf32>
    %reduce_sum3A_68 = vector.extract %reduce_sum3A_67[0, 0, 0] : f32 from vector<1x1x1xf32>
    %sub3A_69 = arith.subf %sub3A_30, %reduce_sum3A_68 : f32
    %get3A_70 = arith.constant 2 : index
    %get3A_71 = arith.constant 0 : index
    %get3A_72 = arith.constant 0 : index
    %get3A_73 = vector.load %arg1[%get3A_70, %get3A_71, %get3A_72] : memref<8x64x576xf32, #tpu.memory_space<vmem>>, vector<1x64x576xf32>
    %get3A_74 = vector.shape_cast %get3A_73 : vector<1x64x576xf32> to vector<64x576xf32>
    %mul3A_75 = arith.mulf %get3A_74, %get3A_74 : vector<64x576xf32>
    %reduce_sum3A_76 = arith.constant dense<0.000000e+00> : vector<576xf32>
    %reduce_sum3A_77 = vector.multi_reduction <add>, %mul3A_75, %reduce_sum3A_76 [0] : vector<64x576xf32> to vector<576xf32>
    %broadcast_in_dim3A_78 = vector.shape_cast %reduce_sum3A_77 : vector<576xf32> to vector<1x576xf32>
    %get3A_79 = arith.constant 0 : index
    %get3A_80 = arith.constant 0 : index
    %get3A_81 = vector.load %arg6[%get3A_79, %get3A_80] : memref<64x1024xf32, #tpu.memory_space<vmem>>, vector<64x1024xf32>
    %dot_general3A_82 = arith.constant dense<0.000000e+00> : vector<1024x576xf32>
    %dot_general3A_83 = tpu.matmul %get3A_81, %get3A_74, %dot_general3A_82 {dimension_numbers = #tpu.dot_dimension_numbers<[0], [0], [1], [1], [0, 1, 1, 1], [], []>, transpose_lhs_hint = false} : vector<64x1024xf32>, vector<64x576xf32>, vector<1024x576xf32> -> vector<1024x576xf32>
    %sub3A_84 = vector.broadcast %broadcast_in_dim3A_78 : vector<1x576xf32> to vector<1024x576xf32>
    %sub3A_85 = arith.subf %dot_general3A_83, %sub3A_84 : vector<1024x576xf32>
    %get3A_86 = arith.constant 0 : index
    %get3A_87 = arith.constant 0 : index
    %get3A_88 = vector.load %arg7[%get3A_86, %get3A_87] : memref<1024x1xf32, #tpu.memory_space<vmem>>, vector<1024x1xf32>
    %sub3A_89 = vector.broadcast %get3A_88 : vector<1024x1xf32> to vector<1024x576xf32>
    %sub3A_90 = arith.subf %sub3A_85, %sub3A_89 : vector<1024x576xf32>
    %reduce_max3A_91 = arith.constant dense<0xFF800000> : vector<576xf32>
    %reduce_max3A_92 = vector.multi_reduction <maximumf>, %sub3A_90, %reduce_max3A_91 [0] : vector<1024x576xf32> to vector<576xf32>
    %broadcast_in_dim3A_93 = vector.shape_cast %reduce_max3A_92 : vector<576xf32> to vector<1x576xf32>
    %iota3A_94 = tpu.iota {dimensions = array<i32: 0>} : vector<1024x576xi32>
    %eq3A_95 = vector.broadcast %broadcast_in_dim3A_93 : vector<1x576xf32> to vector<1024x576xf32>
    %eq3A_96 = arith.cmpf oeq, %sub3A_90, %eq3A_95 : vector<1024x576xf32>
    %jit3A_97 = arith.constant 1073741824 : i32
    %broadcast_in_dim3A_98 = vector.broadcast %jit3A_97 : i32 to vector<1024x576xi32>
    %select_n3A_99 = arith.select %eq3A_96, %iota3A_94, %broadcast_in_dim3A_98 : vector<1024x576xi1>, vector<1024x576xi32>
    %reduce_min3A_100 = arith.constant dense<2147483647> : vector<576xi32>
    %reduce_min3A_101 = vector.multi_reduction <minsi>, %select_n3A_99, %reduce_min3A_100 [0] : vector<1024x576xi32> to vector<576xi32>
    %broadcast_in_dim3A_102 = vector.shape_cast %reduce_min3A_101 : vector<576xi32> to vector<1x576xi32>
    %reduce_sum3A_103 = vector.shape_cast %broadcast_in_dim3A_93 : vector<1x576xf32> to vector<1x1x576xf32>
    %reduce_sum3A_104 = arith.constant dense<0.000000e+00> : vector<1xf32>
    %reduce_sum3A_105 = vector.multi_reduction <add>, %reduce_sum3A_103, %reduce_sum3A_104 [1, 2] : vector<1x1x576xf32> to vector<1xf32>
    %reduce_sum3A_106 = vector.shape_cast %reduce_sum3A_105 : vector<1xf32> to vector<1x1x1xf32>
    %reduce_sum3A_107 = vector.extract %reduce_sum3A_106[0, 0, 0] : f32 from vector<1x1x1xf32>
    %sub3A_108 = arith.subf %sub3A_69, %reduce_sum3A_107 : f32
    %get3A_109 = arith.constant 3 : index
    %get3A_110 = arith.constant 0 : index
    %get3A_111 = arith.constant 0 : index
    %get3A_112 = vector.load %arg1[%get3A_109, %get3A_110, %get3A_111] : memref<8x64x576xf32, #tpu.memory_space<vmem>>, vector<1x64x576xf32>
    %get3A_113 = vector.shape_cast %get3A_112 : vector<1x64x576xf32> to vector<64x576xf32>
    %mul3A_114 = arith.mulf %get3A_113, %get3A_113 : vector<64x576xf32>
    %reduce_sum3A_115 = arith.constant dense<0.000000e+00> : vector<576xf32>
    %reduce_sum3A_116 = vector.multi_reduction <add>, %mul3A_114, %reduce_sum3A_115 [0] : vector<64x576xf32> to vector<576xf32>
    %broadcast_in_dim3A_117 = vector.shape_cast %reduce_sum3A_116 : vector<576xf32> to vector<1x576xf32>
    %get3A_118 = arith.constant 0 : index
    %get3A_119 = arith.constant 0 : index
    %get3A_120 = vector.load %arg6[%get3A_118, %get3A_119] : memref<64x1024xf32, #tpu.memory_space<vmem>>, vector<64x1024xf32>
    %dot_general3A_121 = arith.constant dense<0.000000e+00> : vector<1024x576xf32>
    %dot_general3A_122 = tpu.matmul %get3A_120, %get3A_113, %dot_general3A_121 {dimension_numbers = #tpu.dot_dimension_numbers<[0], [0], [1], [1], [0, 1, 1, 1], [], []>, transpose_lhs_hint = false} : vector<64x1024xf32>, vector<64x576xf32>, vector<1024x576xf32> -> vector<1024x576xf32>
    %sub3A_123 = vector.broadcast %broadcast_in_dim3A_117 : vector<1x576xf32> to vector<1024x576xf32>
    %sub3A_124 = arith.subf %dot_general3A_122, %sub3A_123 : vector<1024x576xf32>
    %get3A_125 = arith.constant 0 : index
    %get3A_126 = arith.constant 0 : index
    %get3A_127 = vector.load %arg7[%get3A_125, %get3A_126] : memref<1024x1xf32, #tpu.memory_space<vmem>>, vector<1024x1xf32>
    %sub3A_128 = vector.broadcast %get3A_127 : vector<1024x1xf32> to vector<1024x576xf32>
    %sub3A_129 = arith.subf %sub3A_124, %sub3A_128 : vector<1024x576xf32>
    %reduce_max3A_130 = arith.constant dense<0xFF800000> : vector<576xf32>
    %reduce_max3A_131 = vector.multi_reduction <maximumf>, %sub3A_129, %reduce_max3A_130 [0] : vector<1024x576xf32> to vector<576xf32>
    %broadcast_in_dim3A_132 = vector.shape_cast %reduce_max3A_131 : vector<576xf32> to vector<1x576xf32>
    %iota3A_133 = tpu.iota {dimensions = array<i32: 0>} : vector<1024x576xi32>
    %eq3A_134 = vector.broadcast %broadcast_in_dim3A_132 : vector<1x576xf32> to vector<1024x576xf32>
    %eq3A_135 = arith.cmpf oeq, %sub3A_129, %eq3A_134 : vector<1024x576xf32>
    %jit3A_136 = arith.constant 1073741824 : i32
    %broadcast_in_dim3A_137 = vector.broadcast %jit3A_136 : i32 to vector<1024x576xi32>
    %select_n3A_138 = arith.select %eq3A_135, %iota3A_133, %broadcast_in_dim3A_137 : vector<1024x576xi1>, vector<1024x576xi32>
    %reduce_min3A_139 = arith.constant dense<2147483647> : vector<576xi32>
    %reduce_min3A_140 = vector.multi_reduction <minsi>, %select_n3A_138, %reduce_min3A_139 [0] : vector<1024x576xi32> to vector<576xi32>
    %broadcast_in_dim3A_141 = vector.shape_cast %reduce_min3A_140 : vector<576xi32> to vector<1x576xi32>
    %reduce_sum3A_142 = vector.shape_cast %broadcast_in_dim3A_132 : vector<1x576xf32> to vector<1x1x576xf32>
    %reduce_sum3A_143 = arith.constant dense<0.000000e+00> : vector<1xf32>
    %reduce_sum3A_144 = vector.multi_reduction <add>, %reduce_sum3A_142, %reduce_sum3A_143 [1, 2] : vector<1x1x576xf32> to vector<1xf32>
    %reduce_sum3A_145 = vector.shape_cast %reduce_sum3A_144 : vector<1xf32> to vector<1x1x1xf32>
    %reduce_sum3A_146 = vector.extract %reduce_sum3A_145[0, 0, 0] : f32 from vector<1x1x1xf32>
    %sub3A_147 = arith.subf %sub3A_108, %reduce_sum3A_146 : f32
    %get3A_148 = arith.constant 4 : index
    %get3A_149 = arith.constant 0 : index
    %get3A_150 = arith.constant 0 : index
    %get3A_151 = vector.load %arg1[%get3A_148, %get3A_149, %get3A_150] : memref<8x64x576xf32, #tpu.memory_space<vmem>>, vector<1x64x576xf32>
    %get3A_152 = vector.shape_cast %get3A_151 : vector<1x64x576xf32> to vector<64x576xf32>
    %mul3A_153 = arith.mulf %get3A_152, %get3A_152 : vector<64x576xf32>
    %reduce_sum3A_154 = arith.constant dense<0.000000e+00> : vector<576xf32>
    %reduce_sum3A_155 = vector.multi_reduction <add>, %mul3A_153, %reduce_sum3A_154 [0] : vector<64x576xf32> to vector<576xf32>
    %broadcast_in_dim3A_156 = vector.shape_cast %reduce_sum3A_155 : vector<576xf32> to vector<1x576xf32>
    %get3A_157 = arith.constant 0 : index
    %get3A_158 = arith.constant 0 : index
    %get3A_159 = vector.load %arg6[%get3A_157, %get3A_158] : memref<64x1024xf32, #tpu.memory_space<vmem>>, vector<64x1024xf32>
    %dot_general3A_160 = arith.constant dense<0.000000e+00> : vector<1024x576xf32>
    %dot_general3A_161 = tpu.matmul %get3A_159, %get3A_152, %dot_general3A_160 {dimension_numbers = #tpu.dot_dimension_numbers<[0], [0], [1], [1], [0, 1, 1, 1], [], []>, transpose_lhs_hint = false} : vector<64x1024xf32>, vector<64x576xf32>, vector<1024x576xf32> -> vector<1024x576xf32>
    %sub3A_162 = vector.broadcast %broadcast_in_dim3A_156 : vector<1x576xf32> to vector<1024x576xf32>
    %sub3A_163 = arith.subf %dot_general3A_161, %sub3A_162 : vector<1024x576xf32>
    %get3A_164 = arith.constant 0 : index
    %get3A_165 = arith.constant 0 : index
    %get3A_166 = vector.load %arg7[%get3A_164, %get3A_165] : memref<1024x1xf32, #tpu.memory_space<vmem>>, vector<1024x1xf32>
    %sub3A_167 = vector.broadcast %get3A_166 : vector<1024x1xf32> to vector<1024x576xf32>
    %sub3A_168 = arith.subf %sub3A_163, %sub3A_167 : vector<1024x576xf32>
    %reduce_max3A_169 = arith.constant dense<0xFF800000> : vector<576xf32>
    %reduce_max3A_170 = vector.multi_reduction <maximumf>, %sub3A_168, %reduce_max3A_169 [0] : vector<1024x576xf32> to vector<576xf32>
    %broadcast_in_dim3A_171 = vector.shape_cast %reduce_max3A_170 : vector<576xf32> to vector<1x576xf32>
    %iota3A_172 = tpu.iota {dimensions = array<i32: 0>} : vector<1024x576xi32>
    %eq3A_173 = vector.broadcast %broadcast_in_dim3A_171 : vector<1x576xf32> to vector<1024x576xf32>
    %eq3A_174 = arith.cmpf oeq, %sub3A_168, %eq3A_173 : vector<1024x576xf32>
    %jit3A_175 = arith.constant 1073741824 : i32
    %broadcast_in_dim3A_176 = vector.broadcast %jit3A_175 : i32 to vector<1024x576xi32>
    %select_n3A_177 = arith.select %eq3A_174, %iota3A_172, %broadcast_in_dim3A_176 : vector<1024x576xi1>, vector<1024x576xi32>
    %reduce_min3A_178 = arith.constant dense<2147483647> : vector<576xi32>
    %reduce_min3A_179 = vector.multi_reduction <minsi>, %select_n3A_177, %reduce_min3A_178 [0] : vector<1024x576xi32> to vector<576xi32>
    %broadcast_in_dim3A_180 = vector.shape_cast %reduce_min3A_179 : vector<576xi32> to vector<1x576xi32>
    %reduce_sum3A_181 = vector.shape_cast %broadcast_in_dim3A_171 : vector<1x576xf32> to vector<1x1x576xf32>
    %reduce_sum3A_182 = arith.constant dense<0.000000e+00> : vector<1xf32>
    %reduce_sum3A_183 = vector.multi_reduction <add>, %reduce_sum3A_181, %reduce_sum3A_182 [1, 2] : vector<1x1x576xf32> to vector<1xf32>
    %reduce_sum3A_184 = vector.shape_cast %reduce_sum3A_183 : vector<1xf32> to vector<1x1x1xf32>
    %reduce_sum3A_185 = vector.extract %reduce_sum3A_184[0, 0, 0] : f32 from vector<1x1x1xf32>
    %sub3A_186 = arith.subf %sub3A_147, %reduce_sum3A_185 : f32
    %get3A_187 = arith.constant 5 : index
    %get3A_188 = arith.constant 0 : index
    %get3A_189 = arith.constant 0 : index
    %get3A_190 = vector.load %arg1[%get3A_187, %get3A_188, %get3A_189] : memref<8x64x576xf32, #tpu.memory_space<vmem>>, vector<1x64x576xf32>
    %get3A_191 = vector.shape_cast %get3A_190 : vector<1x64x576xf32> to vector<64x576xf32>
    %mul3A_192 = arith.mulf %get3A_191, %get3A_191 : vector<64x576xf32>
    %reduce_sum3A_193 = arith.constant dense<0.000000e+00> : vector<576xf32>
    %reduce_sum3A_194 = vector.multi_reduction <add>, %mul3A_192, %reduce_sum3A_193 [0] : vector<64x576xf32> to vector<576xf32>
    %broadcast_in_dim3A_195 = vector.shape_cast %reduce_sum3A_194 : vector<576xf32> to vector<1x576xf32>
    %get3A_196 = arith.constant 0 : index
    %get3A_197 = arith.constant 0 : index
    %get3A_198 = vector.load %arg6[%get3A_196, %get3A_197] : memref<64x1024xf32, #tpu.memory_space<vmem>>, vector<64x1024xf32>
    %dot_general3A_199 = arith.constant dense<0.000000e+00> : vector<1024x576xf32>
    %dot_general3A_200 = tpu.matmul %get3A_198, %get3A_191, %dot_general3A_199 {dimension_numbers = #tpu.dot_dimension_numbers<[0], [0], [1], [1], [0, 1, 1, 1], [], []>, transpose_lhs_hint = false} : vector<64x1024xf32>, vector<64x576xf32>, vector<1024x576xf32> -> vector<1024x576xf32>
    %sub3A_201 = vector.broadcast %broadcast_in_dim3A_195 : vector<1x576xf32> to vector<1024x576xf32>
    %sub3A_202 = arith.subf %dot_general3A_200, %sub3A_201 : vector<1024x576xf32>
    %get3A_203 = arith.constant 0 : index
    %get3A_204 = arith.constant 0 : index
    %get3A_205 = vector.load %arg7[%get3A_203, %get3A_204] : memref<1024x1xf32, #tpu.memory_space<vmem>>, vector<1024x1xf32>
    %sub3A_206 = vector.broadcast %get3A_205 : vector<1024x1xf32> to vector<1024x576xf32>
    %sub3A_207 = arith.subf %sub3A_202, %sub3A_206 : vector<1024x576xf32>
    %reduce_max3A_208 = arith.constant dense<0xFF800000> : vector<576xf32>
    %reduce_max3A_209 = vector.multi_reduction <maximumf>, %sub3A_207, %reduce_max3A_208 [0] : vector<1024x576xf32> to vector<576xf32>
    %broadcast_in_dim3A_210 = vector.shape_cast %reduce_max3A_209 : vector<576xf32> to vector<1x576xf32>
    %iota3A_211 = tpu.iota {dimensions = array<i32: 0>} : vector<1024x576xi32>
    %eq3A_212 = vector.broadcast %broadcast_in_dim3A_210 : vector<1x576xf32> to vector<1024x576xf32>
    %eq3A_213 = arith.cmpf oeq, %sub3A_207, %eq3A_212 : vector<1024x576xf32>
    %jit3A_214 = arith.constant 1073741824 : i32
    %broadcast_in_dim3A_215 = vector.broadcast %jit3A_214 : i32 to vector<1024x576xi32>
    %select_n3A_216 = arith.select %eq3A_213, %iota3A_211, %broadcast_in_dim3A_215 : vector<1024x576xi1>, vector<1024x576xi32>
    %reduce_min3A_217 = arith.constant dense<2147483647> : vector<576xi32>
    %reduce_min3A_218 = vector.multi_reduction <minsi>, %select_n3A_216, %reduce_min3A_217 [0] : vector<1024x576xi32> to vector<576xi32>
    %broadcast_in_dim3A_219 = vector.shape_cast %reduce_min3A_218 : vector<576xi32> to vector<1x576xi32>
    %reduce_sum3A_220 = vector.shape_cast %broadcast_in_dim3A_210 : vector<1x576xf32> to vector<1x1x576xf32>
    %reduce_sum3A_221 = arith.constant dense<0.000000e+00> : vector<1xf32>
    %reduce_sum3A_222 = vector.multi_reduction <add>, %reduce_sum3A_220, %reduce_sum3A_221 [1, 2] : vector<1x1x576xf32> to vector<1xf32>
    %reduce_sum3A_223 = vector.shape_cast %reduce_sum3A_222 : vector<1xf32> to vector<1x1x1xf32>
    %reduce_sum3A_224 = vector.extract %reduce_sum3A_223[0, 0, 0] : f32 from vector<1x1x1xf32>
    %sub3A_225 = arith.subf %sub3A_186, %reduce_sum3A_224 : f32
    %get3A_226 = arith.constant 6 : index
    %get3A_227 = arith.constant 0 : index
    %get3A_228 = arith.constant 0 : index
    %get3A_229 = vector.load %arg1[%get3A_226, %get3A_227, %get3A_228] : memref<8x64x576xf32, #tpu.memory_space<vmem>>, vector<1x64x576xf32>
    %get3A_230 = vector.shape_cast %get3A_229 : vector<1x64x576xf32> to vector<64x576xf32>
    %mul3A_231 = arith.mulf %get3A_230, %get3A_230 : vector<64x576xf32>
    %reduce_sum3A_232 = arith.constant dense<0.000000e+00> : vector<576xf32>
    %reduce_sum3A_233 = vector.multi_reduction <add>, %mul3A_231, %reduce_sum3A_232 [0] : vector<64x576xf32> to vector<576xf32>
    %broadcast_in_dim3A_234 = vector.shape_cast %reduce_sum3A_233 : vector<576xf32> to vector<1x576xf32>
    %get3A_235 = arith.constant 0 : index
    %get3A_236 = arith.constant 0 : index
    %get3A_237 = vector.load %arg6[%get3A_235, %get3A_236] : memref<64x1024xf32, #tpu.memory_space<vmem>>, vector<64x1024xf32>
    %dot_general3A_238 = arith.constant dense<0.000000e+00> : vector<1024x576xf32>
    %dot_general3A_239 = tpu.matmul %get3A_237, %get3A_230, %dot_general3A_238 {dimension_numbers = #tpu.dot_dimension_numbers<[0], [0], [1], [1], [0, 1, 1, 1], [], []>, transpose_lhs_hint = false} : vector<64x1024xf32>, vector<64x576xf32>, vector<1024x576xf32> -> vector<1024x576xf32>
    %sub3A_240 = vector.broadcast %broadcast_in_dim3A_234 : vector<1x576xf32> to vector<1024x576xf32>
    %sub3A_241 = arith.subf %dot_general3A_239, %sub3A_240 : vector<1024x576xf32>
    %get3A_242 = arith.constant 0 : index
    %get3A_243 = arith.constant 0 : index
    %get3A_244 = vector.load %arg7[%get3A_242, %get3A_243] : memref<1024x1xf32, #tpu.memory_space<vmem>>, vector<1024x1xf32>
    %sub3A_245 = vector.broadcast %get3A_244 : vector<1024x1xf32> to vector<1024x576xf32>
    %sub3A_246 = arith.subf %sub3A_241, %sub3A_245 : vector<1024x576xf32>
    %reduce_max3A_247 = arith.constant dense<0xFF800000> : vector<576xf32>
    %reduce_max3A_248 = vector.multi_reduction <maximumf>, %sub3A_246, %reduce_max3A_247 [0] : vector<1024x576xf32> to vector<576xf32>
    %broadcast_in_dim3A_249 = vector.shape_cast %reduce_max3A_248 : vector<576xf32> to vector<1x576xf32>
    %iota3A_250 = tpu.iota {dimensions = array<i32: 0>} : vector<1024x576xi32>
    %eq3A_251 = vector.broadcast %broadcast_in_dim3A_249 : vector<1x576xf32> to vector<1024x576xf32>
    %eq3A_252 = arith.cmpf oeq, %sub3A_246, %eq3A_251 : vector<1024x576xf32>
    %jit3A_253 = arith.constant 1073741824 : i32
    %broadcast_in_dim3A_254 = vector.broadcast %jit3A_253 : i32 to vector<1024x576xi32>
    %select_n3A_255 = arith.select %eq3A_252, %iota3A_250, %broadcast_in_dim3A_254 : vector<1024x576xi1>, vector<1024x576xi32>
    %reduce_min3A_256 = arith.constant dense<2147483647> : vector<576xi32>
    %reduce_min3A_257 = vector.multi_reduction <minsi>, %select_n3A_255, %reduce_min3A_256 [0] : vector<1024x576xi32> to vector<576xi32>
    %broadcast_in_dim3A_258 = vector.shape_cast %reduce_min3A_257 : vector<576xi32> to vector<1x576xi32>
    %reduce_sum3A_259 = vector.shape_cast %broadcast_in_dim3A_249 : vector<1x576xf32> to vector<1x1x576xf32>
    %reduce_sum3A_260 = arith.constant dense<0.000000e+00> : vector<1xf32>
    %reduce_sum3A_261 = vector.multi_reduction <add>, %reduce_sum3A_259, %reduce_sum3A_260 [1, 2] : vector<1x1x576xf32> to vector<1xf32>
    %reduce_sum3A_262 = vector.shape_cast %reduce_sum3A_261 : vector<1xf32> to vector<1x1x1xf32>
    %reduce_sum3A_263 = vector.extract %reduce_sum3A_262[0, 0, 0] : f32 from vector<1x1x1xf32>
    %sub3A_264 = arith.subf %sub3A_225, %reduce_sum3A_263 : f32
    %get3A_265 = arith.constant 7 : index
    %get3A_266 = arith.constant 0 : index
    %get3A_267 = arith.constant 0 : index
    %get3A_268 = vector.load %arg1[%get3A_265, %get3A_266, %get3A_267] : memref<8x64x576xf32, #tpu.memory_space<vmem>>, vector<1x64x576xf32>
    %get3A_269 = vector.shape_cast %get3A_268 : vector<1x64x576xf32> to vector<64x576xf32>
    %mul3A_270 = arith.mulf %get3A_269, %get3A_269 : vector<64x576xf32>
    %reduce_sum3A_271 = arith.constant dense<0.000000e+00> : vector<576xf32>
    %reduce_sum3A_272 = vector.multi_reduction <add>, %mul3A_270, %reduce_sum3A_271 [0] : vector<64x576xf32> to vector<576xf32>
    %broadcast_in_dim3A_273 = vector.shape_cast %reduce_sum3A_272 : vector<576xf32> to vector<1x576xf32>
    %get3A_274 = arith.constant 0 : index
    %get3A_275 = arith.constant 0 : index
    %get3A_276 = vector.load %arg6[%get3A_274, %get3A_275] : memref<64x1024xf32, #tpu.memory_space<vmem>>, vector<64x1024xf32>
    %dot_general3A_277 = arith.constant dense<0.000000e+00> : vector<1024x576xf32>
    %dot_general3A_278 = tpu.matmul %get3A_276, %get3A_269, %dot_general3A_277 {dimension_numbers = #tpu.dot_dimension_numbers<[0], [0], [1], [1], [0, 1, 1, 1], [], []>, transpose_lhs_hint = false} : vector<64x1024xf32>, vector<64x576xf32>, vector<1024x576xf32> -> vector<1024x576xf32>
    %sub3A_279 = vector.broadcast %broadcast_in_dim3A_273 : vector<1x576xf32> to vector<1024x576xf32>
    %sub3A_280 = arith.subf %dot_general3A_278, %sub3A_279 : vector<1024x576xf32>
    %get3A_281 = arith.constant 0 : index
    %get3A_282 = arith.constant 0 : index
    %get3A_283 = vector.load %arg7[%get3A_281, %get3A_282] : memref<1024x1xf32, #tpu.memory_space<vmem>>, vector<1024x1xf32>
    %sub3A_284 = vector.broadcast %get3A_283 : vector<1024x1xf32> to vector<1024x576xf32>
    %sub3A_285 = arith.subf %sub3A_280, %sub3A_284 : vector<1024x576xf32>
    %reduce_max3A_286 = arith.constant dense<0xFF800000> : vector<576xf32>
    %reduce_max3A_287 = vector.multi_reduction <maximumf>, %sub3A_285, %reduce_max3A_286 [0] : vector<1024x576xf32> to vector<576xf32>
    %broadcast_in_dim3A_288 = vector.shape_cast %reduce_max3A_287 : vector<576xf32> to vector<1x576xf32>
    %iota3A_289 = tpu.iota {dimensions = array<i32: 0>} : vector<1024x576xi32>
    %eq3A_290 = vector.broadcast %broadcast_in_dim3A_288 : vector<1x576xf32> to vector<1024x576xf32>
    %eq3A_291 = arith.cmpf oeq, %sub3A_285, %eq3A_290 : vector<1024x576xf32>
    %jit3A_292 = arith.constant 1073741824 : i32
    %broadcast_in_dim3A_293 = vector.broadcast %jit3A_292 : i32 to vector<1024x576xi32>
    %select_n3A_294 = arith.select %eq3A_291, %iota3A_289, %broadcast_in_dim3A_293 : vector<1024x576xi1>, vector<1024x576xi32>
    %reduce_min3A_295 = arith.constant dense<2147483647> : vector<576xi32>
    %reduce_min3A_296 = vector.multi_reduction <minsi>, %select_n3A_294, %reduce_min3A_295 [0] : vector<1024x576xi32> to vector<576xi32>
    %broadcast_in_dim3A_297 = vector.shape_cast %reduce_min3A_296 : vector<576xi32> to vector<1x576xi32>
    %reduce_sum3A_298 = vector.shape_cast %broadcast_in_dim3A_288 : vector<1x576xf32> to vector<1x1x576xf32>
    %reduce_sum3A_299 = arith.constant dense<0.000000e+00> : vector<1xf32>
    %reduce_sum3A_300 = vector.multi_reduction <add>, %reduce_sum3A_298, %reduce_sum3A_299 [1, 2] : vector<1x1x576xf32> to vector<1xf32>
    %reduce_sum3A_301 = vector.shape_cast %reduce_sum3A_300 : vector<1xf32> to vector<1x1x1xf32>
    %reduce_sum3A_302 = vector.extract %reduce_sum3A_301[0, 0, 0] : f32 from vector<1x1x1xf32>
    %sub3A_303 = arith.subf %sub3A_264, %reduce_sum3A_302 : f32
    %concatenate3A = tpu.concatenate %broadcast_in_dim3A_23, %broadcast_in_dim3A_63, %broadcast_in_dim3A_102, %broadcast_in_dim3A_141, %broadcast_in_dim3A_180, %broadcast_in_dim3A_219, %broadcast_in_dim3A_258, %broadcast_in_dim3A_297 in 1 : vector<1x576xi32>, vector<1x576xi32>, vector<1x576xi32>, vector<1x576xi32>, vector<1x576xi32>, vector<1x576xi32>, vector<1x576xi32>, vector<1x576xi32> -> vector<1x4608xi32>
    %reshape3A = vector.shape_cast %concatenate3A : vector<1x4608xi32> to vector<4608xi32>
    %mul3A_304 = arith.constant 4608 : i32
    %mul3A_305 = arith.muli %arg0, %mul3A_304 : i32
    %swap3A = arith.index_cast %mul3A_305 : i32 to index
    %swap3A_306 = vector.load %arg4[%swap3A] : memref<9216xi32, #tpu.memory_space<vmem>>, vector<4608xi32>
    tpu.vector_store %arg4[%swap3A], %reshape3A {strides = array<i32>} : memref<9216xi32, #tpu.memory_space<vmem>>, vector<4608xi32>,
    %get3A_307 = arith.constant 0 : index
    %get3A_308 = arith.constant 0 : index
    %get3A_309 = memref.load %arg5[%get3A_307, %get3A_308] : memref<1x1xf32, #tpu.memory_space<smem>>
    %mul3A_310 = arith.constant 1.69542102E-6 : f32
    %mul3A_311 = arith.mulf %sub3A_303, %mul3A_310 : f32
    %add3A = arith.addf %get3A_309, %mul3A_311 : f32
    %swap3A_312 = arith.constant 0 : index
    %swap3A_313 = arith.constant 0 : index
    %swap3A_314 = memref.load %arg5[%swap3A_312, %swap3A_313] : memref<1x1xf32, #tpu.memory_space<smem>>
    memref.store %add3A, %arg5[%swap3A_312, %swap3A_313] : memref<1x1xf32, #tpu.memory_space<smem>>
    return
  }
  func.func @transform_0(%arg0: i32) -> (i32, i32, i32) {
    %c0_i32 = arith.constant 0 : i32
    %c0_i32_0 = arith.constant 0 : i32
    %c0_i32_1 = arith.constant 0 : i32
    return %arg0, %c0_i32, %c0_i32_0 : i32, i32, i32
  }
  func.func @transform_1(%arg0: i32) -> (i32, i32) {
    %c0_i32 = arith.constant 0 : i32
    %c0_i32_0 = arith.constant 0 : i32
    %c0_i32_1 = arith.constant 0 : i32
    return %c0_i32, %c0_i32_0 : i32, i32
  }
  func.func @transform_2(%arg0: i32) -> (i32, i32) {
    %c0_i32 = arith.constant 0 : i32
    %c0_i32_0 = arith.constant 0 : i32
    %c0_i32_1 = arith.constant 0 : i32
    return %c0_i32, %c0_i32_0 : i32, i32
  }
  func.func @transform_3(%arg0: i32) -> i32 {
    %c0_i32 = arith.constant 0 : i32
    %c0_i32_0 = arith.constant 0 : i32
    return %c0_i32 : i32
  }
  func.func @transform_4(%arg0: i32) -> (i32, i32) {
    %c0_i32 = arith.constant 0 : i32
    %c0_i32_0 = arith.constant 0 : i32
    %c0_i32_1 = arith.constant 0 : i32
    return %c0_i32, %c0_i32_0 : i32, i32
  }
}

</mosaic_0001>

<sc_bundles>
// kernel: kernel.4.cloned.1.call-start
scs
__scs_entry_jumppad:
0x0: {  	(pc) =	sbr.rel $0x88, $3  }
0x1: {  	(tag) =	ssettag $0x0;
	lr =	simm.s32 $0x1  }
0x2: {  	[smem:$0x3F9F] =	sst lr;
	_ =	strace $0xD0000000  }
0x3: {  	_ = 	snop  }
0x4: {  	_ = 	snop  }
0x5: {  	_ = 	snop  }
0x6: {  	_ = 	snop  }
0x7: {  	_ = 	snop  }
__scs_overlays_trampoline_lowered:
0x8: {  	[smem:$0x3FAE] =	sst s0  }
0x9: {  	[smem:$0x3FAF] =	sst s1  }
0xa: {  	[smem:$0x3FB0] =	sst s2  }
0xb: {  	[smem:$0x3FB1] =	sst s3  }
0xc: {  	[smem:$0x3FB2] =	sst s4  }
0xd: {  	[smem:$0x3FB3] =	sst s5  }
0xe: {  	[smem:$0x3FB4] =	sst s6  }
0xf: {  	[smem:$0x3FB5] =	sst s7  }
0x10: {  	[smem:$0x3FB6] =	sst s8  }
0x11: {  	[smem:$0x3FB7] =	sst s9;
	s0 =	simm.s32 @!p0 $0x0  }
0x12: {  	s1 =	sld [smem:$0x3F9D];
	s0 =	simm.s32 @p0 $0x1  }
0x13: {  	[smem:$0x3FB8] =	sst s0;
	s0 =	simm.s32 @!p1 $0x0  }
0x14: {  	s2 =	sld [smem:$0x3F9C];
	s0 =	simm.s32 @p1 $0x1  }
0x15: {  	[smem:$0x3FB9] =	sst s0;
	s0 =	simm.s32 @!p2 $0x0  }
0x16: {  	s3 =	sld [smem:$0x3FDB];
	s0 =	simm.s32 @p2 $0x1  }
0x17: {  	s4 =	simm.s32 $0x1BF5;
	[smem:$0x3FBB] =	sst s0  }
0x18: {  	s0 =	sld [smem:$0x3F9E];
	_ =	swait.ge [sflag:s4], $0x0  }
0x19: {  	s7 =	sld [smem:$0x3F9F]  }
0x1a: {  	s8 =	sadd.s32 $0xFFFFE003, lr  }
0x1b: {  	s9 =	sadd.s32 $0xFFFFFEF7, lr;
	s5 =	simm.s32 $0xFFFFFFFF;
	p2 =	slt.u32 s8, $0xFFFFF086  }
0x1c: {  	p1 =	slt.u32 s9, $0xF7A;
	s5 =	simm.s32 @!p2 $0x0  }
0x1d: {  	s5 =	simm.s32 @p1 $0x1;
	p0 =	seq.s32 s7, s2  }
0x1e: {  	s7 =	smul.u32 @!p0 $0xF7A, s2;
	p2 =	seq.s32 @!p0 s5, $0x0  }
0x1f: {  	s9 =	smul.u32 $0xF7A, s1;
	s8 =	simm.s32 @!p0 $0x1BF5;
	p2 =	por !p2, p0  }
0x20: {  	[sflag:s8] =	ssyncset.s32 @!p0 $0xFFFFF086;
	s6 =	sadd.s32 @!p0 s3, s7;
	s7 =	simm.s32 @!p0 $0x108  }
0x21: {  	s3 =	sadd.s32 s3, s9;
	s6 =	sadd.s32 @!p0 $0x88, s6;
	s7 =	simm.s32 @p2 $0x1082  }
0x22: {  	[simem:s7], [sflag:s8] =	dma.local @!p0 [hbm:s6], $0xF7A  }
0x23: {  	s9 =	sor.u32 $0xD0000000, s2;
	s6 =	simm.s32 $0x108;
	_ =	swait.ge @!p0 [sflag:s8], $0x0  }
0x24: {  	s3 =	sadd.s32 $0x88, s3;
	s6 =	simm.s32 @!p1 $0x1082;
	[sflag:s4] =	ssyncset.s32 $0xFFFFF086  }
0x25: {  	[simem:s6], [sflag:s4] =	dma.local [hbm:s3], $0xF7A  }
0x26: {  	[smem:$0x3F9F] =	sst s1;
	(tag) =	ssettag s2;
	_ =	strace s9  }
0x27: {  	s1 =	sld [smem:$0x3FAF]  }
0x28: {  	s2 =	sld [smem:$0x3FB0]  }
0x29: {  	s4 =	sld [smem:$0x3FB2]  }
0x2a: {  	p0 =	seq.s32 s5, $0x0;
	s5 =	sld [smem:$0x3FB3]  }
0x2b: {  	s6 =	sld [smem:$0x3FB4]  }
0x2c: {  	s7 =	sld [smem:$0x3FB5]  }
0x2d: {  	s3 =	simm.s32 $0x108;
	s8 =	sld [smem:$0x3FB6]  }
0x2e: {  	s3 =	simm.s32 @!p0 $0x1082;
	s9 =	sld [smem:$0x3FB7]  }
0x2f: {  	lr =	sadd.s32 s0, s3;
	s0 =	sld [smem:$0x3FAE]  }
0x30: {  	s3 =	sld [smem:$0x3FB1]  }
0x31: {  	[smem:$0x3FBA] =	sst s10  }
0x32: {  	s10 =	sld [smem:$0x3FB8];
	_ =	sdelay $0x3  }
0x33: {  	p0 =	seq.s32 s10, $0x1;
	s10 =	sld [smem:$0x3FBA];
	_ =	sdelay $0x3  }
0x34: {  	[smem:$0x3FBA] =	sst s10  }
0x35: {  	s10 =	sld [smem:$0x3FB9];
	_ =	sdelay $0x3  }
0x36: {  	p1 =	seq.s32 s10, $0x1;
	s10 =	sld [smem:$0x3FBA];
	_ =	sdelay $0x3  }
0x37: {  	[smem:$0x3FBA] =	sst s10  }
0x38: {  	s10 =	sld [smem:$0x3FBB]  }
0x39: {  	_ = 	snop;
	(pc) =	sbr.ind lr, $3  }
0x3a: {  	_ = 	snop  }
0x3b: {  	_ = 	snop  }
0x3c: {  	p2 =	seq.s32 s10, $0x1;
	s10 =	sld [smem:$0x3FBA]  }
0x3d: {  	_ =	shalt  }
0x3e: {  	_ =	shalt  }
0x3f: {  	_ =	shalt  }
0x40: {  	_ =	shalt  }
0x41: {  	_ =	shalt  }
0x42: {  	_ =	shalt  }
0x43: {  	_ =	shalt  }
0x44: {  	_ =	shalt  }
0x45: {  	_ =	shalt  }
0x46: {  	_ =	shalt  }
0x47: {  	_ =	shalt  }
0x48: {  	_ =	shalt  }
0x49: {  	_ =	shalt  }
0x4a: {  	_ =	shalt  }
0x4b: {  	_ =	shalt  }
0x4c: {  	_ =	shalt  }
0x4d: {  	_ =	shalt  }
0x4e: {  	_ =	shalt  }
0x4f: {  	_ =	shalt  }
0x50: {  	_ =	shalt  }
0x51: {  	_ =	shalt  }
0x52: {  	_ =	shalt  }
0x53: {  	_ =	shalt  }
0x54: {  	_ =	shalt  }
0x55: {  	_ =	shalt  }
0x56: {  	_ =	shalt  }
0x57: {  	_ =	shalt  }
0x58: {  	_ =	shalt  }
0x59: {  	_ =	shalt  }
0x5a: {  	_ =	shalt  }
0x5b: {  	_ =	shalt  }
0x5c: {  	_ =	shalt  }
0x5d: {  	_ =	shalt  }
0x5e: {  	_ =	shalt  }
0x5f: {  	_ =	shalt  }
0x60: {  	_ =	shalt  }
0x61: {  	_ =	shalt  }
0x62: {  	_ =	shalt  }
0x63: {  	_ =	shalt  }
0x64: {  	_ =	shalt  }
0x65: {  	_ =	shalt  }
0x66: {  	_ =	shalt  }
0x67: {  	_ =	shalt  }
0x68: {  	_ =	shalt  }
0x69: {  	_ =	shalt  }
0x6a: {  	_ =	shalt  }
0x6b: {  	_ =	shalt  }
0x6c: {  	_ =	shalt  }
0x6d: {  	_ =	shalt  }
0x6e: {  	_ =	shalt  }
0x6f: {  	_ =	shalt  }
0x70: {  	_ =	shalt  }
0x71: {  	_ =	shalt  }
0x72: {  	_ =	shalt  }
0x73: {  	_ =	shalt  }
0x74: {  	_ =	shalt  }
0x75: {  	_ =	shalt  }
0x76: {  	_ =	shalt  }
0x77: {  	_ =	shalt  }
0x78: {  	_ =	shalt  }
0x79: {  	_ =	shalt  }
0x7a: {  	_ =	shalt  }
0x7b: {  	_ =	shalt  }
0x7c: {  	_ =	shalt  }
0x7d: {  	_ =	shalt  }
0x7e: {  	_ =	shalt  }
0x7f: {  	_ =	shalt  }
0x80: {  	_ =	shalt  }
0x81: {  	_ =	shalt  }
0x82: {  	_ =	shalt  }
0x83: {  	_ =	shalt  }
0x84: {  	_ =	shalt  }
0x85: {  	_ =	shalt  }
0x86: {  	_ =	shalt  }
0x87: {  	_ =	shalt  }
.Lfunc_end0:
.L_simem_size_0:
called_computation_lowered:
.L_overlay_start_0:
0x88: {  	s2 =	sld [smem:$0x3FD9]  }
0x89: {  	s3 =	sld [smem:$0x3FFE];
	_ =	sdelay $0x1  }
0x8a: {  	s1 =	srdreg.scid  }
0x8b: {  	s0 =	sand.u32 $0x1, s1  }
0x8c: {  	s14 =	sshll.u32 s0, $0xA;
	s2 =	sadd.s32 s3, s2  }
0x8d: {  	s2 =	sadd.s32 s2, s14  }
0x8e: {  	[smem:$0x3FC6] =	sst s2  }
0x8f: {  	_ = 	snop  }
0x90: {  	s2 =	sld [smem:$0x3FD0];
	_ =	sdelay $0x2  }
0x91: {  	s15 =	simm.s32 $0xA;
	s4 =	simm.s32 $0x10  }
0x92: {  	[smem:s4], [sflag:s15] =	dma.local [hbm:s2], $0x1  }
0x93: {  	_ =	swait.eq [sflag:s15], $0x1  }
0x94: {  	[sflag:s15] =	ssyncset.done $0x0  }
0x95: {  	s16 =	sld [smem:$0x10];
	[sflag:s15] =	ssyncadd.s32 $0xFFFFFFFF  }
0x96: {  	s17 =	sld [smem:$0x12];
	(tm) =	ssettm $0x1  }
0x97: {  	s18 =	sld [smem:$0x3FFB];
	_ =	sdelay $0x3  }
0x98: {  	_ =	strace s18  }
0x99: {  	s4 =	sld [smem:$0x3FFC];
	_ =	sdelay $0x3  }
0x9a: {  	_ =	strace s4  }
0x9b: {  	s4 =	sld [smem:$0x3FFD];
	_ =	sdelay $0x3  }
0x9c: {  	_ =	strace s4  }
0x9d: {  	_ =	strace $0x8FFFFFFF  }
0x9e: {  	s19 =	sld [smem:$0x3FDB];
	_ =	sdelay $0x1  }
0x9f: {  	s5 =	simm.s32 $_scs_section_size  }
0xa0: {  	s6 =	simm.s32 $_size__tile_overlayer_lowered;
	s7 =	simm.s32 $_tile_overlayer_lowered  }
0xa1: {  	s22 =	simm.s32 $0x1BFF;
	s21 =	sshll.u32 s7, $0x1;
	s4 =	sadd.s32 s5, s19  }
0xa2: {  	s8 =	simm.s32 $0x0;
	s20 =	sshll.u32 s6, $0x1;
	s6 =	sadd.s32 s21, s4  }
0xa3: {  	[timem:s8], [sflag:s22] =	dma.local [hbm:s6], s20  }
0xa4: {  	_ =	swait.ge [sflag:s22], s20  }
0xa5: {  	s5 =	ssub.s32 $0x0, s20;
	[sflag:s22] =	ssyncset.done $0x0  }
0xa6: {  	[sflag:s22] =	ssyncadd.s32 s5;
	_ =	sdelay $0x1  }
0xa7: {  	s23 =	simm.s32 $0x1B8B  }
0xa8: {  	_ =	swait.ge [sflag:s23], $0x1  }
0xa9: {  	[sflag:s23] =	ssyncset.done $0x0  }
0xaa: {  	s25 =	simm.s32 $0x1B8E;
	s24 =	sld [smem:$0x3FFE];
	[sflag:s23] =	ssyncadd.s32 $0xFFFFFFFF  }
0xab: {  	s26 =	simm.s32 $execute0_lowered;
	[smem:$0x3FD2] =	sst s25  }
0xac: {  	s6 =	sshll.u32 s26, $0x1;
	_ =	strace $0x80000046;
	[dreg:$0x1] =	wrdreg $0xFFFFFFFF  }
0xad: {  	s28 =	simm.s32 $_size_execute0_lowered;
	s4 =	sadd.s32 s4, s6;
	[dreg:$0x0] =	wrdreg $0x0  }
0xae: {  	s6 =	sshll.u32 s28, $0x1;
	[dreg:$0x2] =	wrdreg s4  }
0xaf: {  	[dreg:$0x3] =	wrdreg s6  }
0xb0: {  	[dreg:$0x4] =	wrdreg $0xC0  }
0xb1: {  	_ =	task [dreg:s8], $0x5FFFF  }
0xb2: {  	[dreg:$0x1] =	wrdreg $0xFFFFFFFF  }
0xb3: {  	[dreg:$0x0] =	wrdreg $0x60  }
0xb4: {  	[dreg:$0x2] =	wrdreg s24  }
0xb5: {  	[dreg:$0x3] =	wrdreg s17  }
0xb6: {  	[dreg:$0x4] =	wrdreg s16  }
0xb7: {  	[dreg:$0x5] =	wrdreg $0x9  }
0xb8: {  	_ =	task.clear_ibuf [dreg:s8], $0x6FFFF;
	_ =	strace $0x90000046  }
0xb9: {  	s29 =	simm.s32 $0x9;
	_ =	strace $0x80000048  }
0xba: {  	_ =	swait.ge [sflag:s29], $0x1  }
0xbb: {  	[sflag:s29] =	ssyncadd.s32 $0xFFFFFFFF  }
0xbc: {  	_ =	strace $0x90000048  }
0xbd: {  	_ =	sfence  }
0xbe: {  	s30 =	sld [smem:$0x0];
	_ =	sdelay $0x2  }
0xbf: {  	s31 =	sshll.u32 s1, $0xD;
	s1 =	sshrl.u32 s1, $0x2  }
0xc0: {  	s3 =	sand.u32 $0x4000, s31;
	s1 =	sadd.s32 s1, s30  }
0xc1: {  	s0 =	sor.u32 s3, s0;
	s1 =	sshll.u32 s1, $0x11  }
0xc2: {  	s0 =	sor.u32 s1, s0  }
0xc3: {  	s0 =	sadd.s32 $0x8F2B, s0  }
0xc4: {  	[sflag:s0] =	ssyncadd.remote.s32 $0x1  }
0xc5: {  	_ =	sfence.sel $0xFFFF  }
0xc6: {  	[dreg:$0x0] =	wrdreg $0xFFFFFFFF;
	(pc) =	sbr.abs _section_cstart, $3  }
0xc7: {  	[dreg:$0x1] =	wrdreg $0xFFFFFFFF  }
0xc8: {  	_ =	task.clear_ibuf [dreg:s8], $0x2FFFF;
	_ =	strace $0x9FFFFFFF  }
0xc9: {  	(tm) =	ssettm $0x7FFFFFFF  }
tec
execute0_lowered:
.L_overlay_start_1:
0x0: {  	(tag) =	ssettag $0x1  }
0x1: {  	s5 =	rddreg [dreg:$0x0]  }
0x2: {  	s1 =	srdreg.scid;
	s0 =	stileid.u32  }
0x3: {  	s3 =	rddreg [dreg:$0x1];
	s12 =	sand.u32 $0x1, s1;
	s30 =	sshll.u32 s0, $0x1  }
0x4: {  	s13 =	rddreg [dreg:$0x2];
	s14 =	sor.u32 s12, s30  }
0x5: {  	s2 =	simm.s32 $0x0;
	s1 =	rddreg [dreg:$0x3];
	s4 =	smul.u32 $0x24, s14  }
0x6: {  	[smem:$0x7FF] =	sst s2  }
0x7: {  	_ =	strace $0x80000047;
	s4 =	sadd.s32 s3, s4;
	s3 =	simm.s32 $0x2  }
0x8: {  	[tilespmem:s2], [sflag:$0x2] =	stream.linear.gather [hbm4b:s4+s2], $0x120, $0x38;
	[tilespmem:$0x4920] =	vst v63  }
0x9: {  	_ =	swait.ge [sflag:s3], $0x120  }
0xa: {  	s6 =	simm.s32 $0x60;
	[sflag:s3] =	ssyncset.done $0x0  }
0xb: {  	s7 =	simm.s32 $0x120;
	s5 =	sadd.s32 $0xA00, s5;
	[sflag:s3] =	ssyncadd.s32 $0xFFFFFEE0  }
0xc: {  	[tilespmem:s7], [sflag:$0x1] =	stream.indirect.gather [hbm4b:s5+s6], $0x40, s2, s6, $0xb8;
	[tilespmem:$0x4920] =	vst v63  }
0xd: {  	s8 =	simm.s32 $0x1920  }
0xe: {  	[tilespmem:s8], [sflag:$0x1] =	stream.indirect.gather [hbm4b:s5+s6], $0x40, s6, s6, $0xb8;
	[tilespmem:$0x4920] =	vst v63  }
0xf: {  	s9 =	simm.s32 $0xC0;
	s10 =	simm.s32 $0x3120;
	s11 =	simm.s32 $0x1  }
0x10: {  	[tilespmem:s10], [sflag:$0x1] =	stream.indirect.gather [hbm4b:s5+s6], $0x40, s9, s6, $0xb8;
	[tilespmem:$0x4920] =	vst v63  }
0x11: {  	_ =	swait.ge [sflag:s11], $0x1800  }
0x12: {  	[sflag:s11] =	ssyncset.done $0x0  }
0x13: {  	s12 =	ssub.s32 $0x2, s12;
	[sflag:s11] =	ssyncadd.s32 $0xFFFFE800  }
0x14: {  	s15 =	sshrl.u32 s12, $0x1;
	_ =	swait.ge [sflag:s11], $0x1800  }
0x15: {  	s15 =	ssub.s32 s12, s15;
	[sflag:s11] =	ssyncset.done $0x0  }
0x16: {  	s31 =	smax.u32 s15, $0x1;
	[sflag:s11] =	ssyncadd.s32 $0xFFFFE800  }
0x17: {  	s14 =	smul.u32 $0x900, s14;
	p0 =	sne.s32 s31, $0x1;
	_ =	swait.ge [sflag:s11], $0x1800  }
.Ltmp0:
0x18: {  	[sflag:s11] =	ssyncset.done $0x0;
	(pc) =	sbr.rel @!p0 .LBB2_2-.Ltmp0, $4  }
0x19: {  	s12 =	sadd.s32 s13, s14;
	[sflag:s11] =	ssyncadd.s32 $0xFFFFE800  }
0x1a: {  	[hbm4b:s12+s2] =	stream.linear.scatter [tilespmem:s7], [sflag:$0x2], $0x4800, $0x38;
	[tilespmem:$0x4920] =	vst v63  }
0x1b: {  	_ =	swait.ge [sflag:s3], $0x4800  }
0x1c: {  	s13 =	sadd.s32 $0xFFFFFFFF, s31;
	[sflag:s3] =	ssyncset.done $0x0  }
.LBB2_1:
0x1d: {  	p0 =	sne.s32 s13, $0x1;
	s13 =	sadd.s32 $0xFFFFFFFF, s13;
	[sflag:s3] =	ssyncadd.s32 $0xFFFFB800  }
0x1e: {  	[tilespmem:s2], [sflag:$0x2] =	stream.linear.gather [hbm4b:s4+s2], $0x120, $0x38;
	[tilespmem:$0x4920] =	vst v63  }
0x1f: {  	_ =	swait.ge [sflag:s3], $0x120  }
0x20: {  	[sflag:s3] =	ssyncset.done $0x0  }
0x21: {  	[sflag:s3] =	ssyncadd.s32 $0xFFFFFEE0  }
0x22: {  	[tilespmem:s7], [sflag:$0x1] =	stream.indirect.gather [hbm4b:s5+s6], $0x40, s2, s6, $0xb8;
	[tilespmem:$0x4920] =	vst v63  }
0x23: {  	_ = 	snop  }
0x24: {  	[tilespmem:s8], [sflag:$0x1] =	stream.indirect.gather [hbm4b:s5+s6], $0x40, s6, s6, $0xb8;
	[tilespmem:$0x4920] =	vst v63  }
0x25: {  	_ = 	snop  }
0x26: {  	[tilespmem:s10], [sflag:$0x1] =	stream.indirect.gather [hbm4b:s5+s6], $0x40, s9, s6, $0xb8;
	[tilespmem:$0x4920] =	vst v63  }
0x27: {  	_ =	swait.ge [sflag:s11], $0x1800  }
0x28: {  	[sflag:s11] =	ssyncset.done $0x0  }
0x29: {  	[sflag:s11] =	ssyncadd.s32 $0xFFFFE800  }
0x2a: {  	_ =	swait.ge [sflag:s11], $0x1800  }
0x2b: {  	[sflag:s11] =	ssyncset.done $0x0  }
0x2c: {  	[sflag:s11] =	ssyncadd.s32 $0xFFFFE800  }
0x2d: {  	_ =	swait.ge [sflag:s11], $0x1800  }
.Ltmp1:
0x2e: {  	[sflag:s11] =	ssyncset.done $0x0;
	(pc) =	sbr.rel @p0 .LBB2_1-.Ltmp1, $4  }
0x2f: {  	[sflag:s11] =	ssyncadd.s32 $0xFFFFE800  }
0x30: {  	[hbm4b:s12+s2] =	stream.linear.scatter [tilespmem:s7], [sflag:$0x2], $0x4800, $0x38;
	[tilespmem:$0x4920] =	vst v63  }
0x31: {  	_ =	swait.ge [sflag:s3], $0x4800  }
0x32: {  	[sflag:s3] =	ssyncset.done $0x0  }
.LBB2_2:
0x33: {  	[sflag:s3] =	ssyncadd.s32 $0xFFFFB800  }
0x34: {  	_ =	sfence.sel $0x180000  }
0x35: {  	[bflag:$0x0] =	sbarrier.arrive $0xFFFF  }
0x36: {  	p0 =	sne.s32 s0, $0x0;
	_ =	strace $0x90000047  }
0x37: {  	s0 =	sadd.s32 @!p0 $0x100000, s1;
	[bflag:$0x2] =	sbarrier.arrive $0xFFFF  }
0x38: {  	[sflag:s0] =	ssyncadd.tile.s32 @!p0 $0x1;
	_ =	shalt  }
.Lfunc_end2:
_tile_overlayer_lowered:
.L_overlay_start_2:
0x39: {  	(tag) =	ssettag $0x2  }
0x3a: {  	s0 =	rddreg [dreg:$0x0];
	s2 =	stileid.u32  }
0x3b: {  	s1 =	rddreg [dreg:$0x1];
	p0 =	sne.s32 s2, $0x0  }
0x3c: {  	s3 =	rddreg [dreg:$0x2];
	[bflag:$0x3] =	sbarrier.arrive $0xFFFF;
	s2 =	simm.s32 @!p0 $0x1C02  }
0x3d: {  	[timem:s3], [sflag:s2] =	dma.local @!p0 [hbm:s0], s1  }
0x3e: {  	s0 =	simm.s32 @!p0 $0x2  }
0x3f: {  	_ =	swait.ge @!p0 [sflag:s0], s1  }
0x40: {  	s1 =	ssub.s32 @!p0 $0x0, s1;
	[sflag:s0] =	ssyncset.done @!p0 $0x0  }
0x41: {  	[sflag:s0] =	ssyncadd.s32 @!p0 s1  }
0x42: {  	[bflag:$0x3] =	sbarrier.arrive $0xFFFF  }
0x43: {  	_ =	shalt  }

</sc_bundles>
